<compile_context>
chip_gen: v7x
topology: tpu7x:2x2x1
jax: 0.10.2.dev20260603
libtpu: 0.0.44.dev20260713+nightly
codegen_flags: <defaults>
</compile_context>

<pallas_src>
import functools

import jax
import jax.numpy as jnp
from jax import lax
from jax.experimental import pallas as pl
from jax.experimental.pallas import tpu as pltpu
from jax.experimental.pallas import tpu_sc as plsc


def _tc_body(nsb, nch, pool, x_ref, w_ref, b_ref, logits_ref, idx2_ref, acc_ref):
    bi = pl.program_id(0)
    ci = pl.program_id(1)
    m = jnp.max(x_ref[...], axis=0, keepdims=True)

    @pl.when(ci == 0)
    def _init():
        acc_ref[pl.ds(bi, 1), :] = m

    @pl.when(ci > 0)
    def _acc():
        acc_ref[pl.ds(bi, 1), :] = jnp.maximum(acc_ref[pl.ds(bi, 1), :], m)

    B = logits_ref.shape[0]

    @pl.when((bi == B - 1) & (ci == nsb - 1))
    def _final():
        xmax = acc_ref[...]
        logits = lax.dot_general(
            xmax, w_ref[...], (((1,), (1,)), ((), ())),
            preferred_element_type=jnp.float32,
        ) + b_ref[...]
        logits_ref[...] = logits
        idx = jnp.argmax(logits, axis=1).astype(jnp.int32)
        j = lax.broadcasted_iota(jnp.int32, idx2_ref.shape, 1)
        k = j // nch
        c = j - k * nch
        idx2_ref[...] = (k * pool + idx[:, None]) * nch + c


def _tc_reduce_classify(x_embed, W, b, nch):
    B, S, E = x_embed.shape
    P = W.shape[0]
    S_BLK = 512
    nsb = S // S_BLK
    x2 = x_embed.reshape(B * S, E)
    return pl.pallas_call(
        functools.partial(_tc_body, nsb, nch, P),
        grid=(B, nsb),
        in_specs=[
            pl.BlockSpec((S_BLK, E), lambda bi, ci: (bi * nsb + ci, 0)),
            pl.BlockSpec((P, E), lambda bi, ci: (0, 0)),
            pl.BlockSpec((1, P), lambda bi, ci: (0, 0)),
        ],
        out_specs=[
            pl.BlockSpec((B, P), lambda bi, ci: (0, 0)),
            pl.BlockSpec((B, 2 * nch), lambda bi, ci: (0, 0)),
        ],
        out_shape=[
            jax.ShapeDtypeStruct((B, P), jnp.float32),
            jax.ShapeDtypeStruct((B, 2 * nch), jnp.int32),
        ],
        scratch_shapes=[pltpu.VMEM((B, E), jnp.float32)],
        compiler_params=pltpu.CompilerParams(
            dimension_semantics=("arbitrary", "arbitrary")),
    )(x2, W, b.reshape(1, P))


def _sc_gather(table, idx_flat, n_workers, nc):
    n_rows, dc = idx_flat.shape[0], table.shape[1]
    b_per_w = n_rows // n_workers
    mesh = plsc.VectorSubcoreMesh(core_axis_name="c", subcore_axis_name="s")

    @functools.partial(
        pl.kernel, mesh=mesh,
        out_type=jax.ShapeDtypeStruct((n_rows, dc), jnp.float32),
        scratch_types=[
            pltpu.VMEM((b_per_w,), jnp.int32),
            pltpu.VMEM((b_per_w, dc), jnp.float32),
            pltpu.SemaphoreType.DMA,
        ],
    )
    def _body(table_hbm, idx_hbm, out_hbm, idx_v, rows_v, sem):
        wid = lax.axis_index("s") * nc + lax.axis_index("c")
        base = wid * b_per_w
        pltpu.sync_copy(idx_hbm.at[pl.ds(base, b_per_w)], idx_v)
        pltpu.async_copy(table_hbm.at[idx_v], rows_v, sem).wait()
        pltpu.sync_copy(rows_v, out_hbm.at[pl.ds(base, b_per_w)])

    return _body(table, idx_flat)


def kernel(x_embed, prompt, W, b):
    B, S, E = x_embed.shape
    NL, TWO, P, L, H, D = prompt.shape
    info = plsc.get_sparse_core_info()
    n_workers = info.num_cores * info.num_subcores
    nch = (8 * n_workers) // (B * TWO)
    dc = (L * H * D) // nch
    logits, idx2 = _tc_reduce_classify(x_embed, W, b, nch)
    table = prompt.reshape(TWO * P * nch, dc)
    out2 = _sc_gather(table, idx2.reshape(-1), n_workers, info.num_cores)
    e_prompt = out2.reshape(B, TWO, L, H, D)[None]
    return logits, e_prompt

# --- scband reference (transcript-rebuilt; emitter-appended) ---
"""Pipeline reference for scband-eprompt-11776800325773 (READ-ONLY COPY).

The authoritative reference and input builder live on the scoring server;
editing this copy changes nothing except your own understanding.
"""

import jax, jax.numpy as jnp
import numpy as np

LENGTH = 5
EMBED_DIM = 4096
POOL_SIZE = 10
NUM_LAYERS = 1
NUM_HEADS = 32
HEAD_DIM = EMBED_DIM // NUM_HEADS
B, S = 4, 2048


def setup_inputs(seed: int = 0) -> dict:
    key = jax.random.key(seed)
    k1, k2, k3, k4 = jax.random.split(key, 4)
    x_embed = jax.random.normal(k1, (B, S, EMBED_DIM), dtype=jnp.float32)
    # prompt pool parameter, init uniform(-1, 1) as in the torch module
    prompt = jax.random.uniform(k2, (NUM_LAYERS, 2, POOL_SIZE, LENGTH, NUM_HEADS, HEAD_DIM), dtype=jnp.float32, minval=-1.0, maxval=1.0)
    # Linear(embed_dim, pool_size) params
    bound = 1.0 / np.sqrt(EMBED_DIM)
    W = jax.random.uniform(k3, (POOL_SIZE, EMBED_DIM), dtype=jnp.float32, minval=-bound, maxval=bound)
    b = jax.random.uniform(k4, (POOL_SIZE,), dtype=jnp.float32, minval=-bound, maxval=bound)
    return {"x_embed": x_embed, "prompt": prompt, "W": W, "b": b}


def reference(x_embed, prompt, W, b):
    # cls_features is None -> max-pool over the sequence dimension
    x = jnp.max(x_embed, axis=1)  # [B, embed_dim]
    prompt_logits = x @ W.T + b  # [B, pool_size]
    selected_key_idx = jnp.argmax(prompt_logits, axis=1)  # [B]
    # gather selected prompts: [num_layers, 2, B, length, num_heads, head_dim]
    e_prompt = prompt[:, :, selected_key_idx]
    # permute(0, 2, 1, 3, 4, 5) -> [num_layers, B, 2, length, num_heads, head_dim]
    e_prompt = jnp.transpose(e_prompt, (0, 2, 1, 3, 4, 5))
    return (prompt_logits, e_prompt)

if __name__ == "__main__":
    import jax
    _d = setup_inputs()
    print(jax.jit(kernel)(*tuple(_d.values())))

</pallas_src>

<mosaic_0001>
#map = affine_map<(d0, d1) -> (0, 0)>
#map1 = affine_map<(d0, d1) -> (0)>
module attributes {stable_mosaic.version = 14 : i64} {
  func.func @_body(%arg0: i32, %arg1: i32, %arg2: memref<640x640xf32, #tpu.memory_space<hbm>>, %arg3: memref<256xi32, #tpu.memory_space<hbm>>, %arg4: memref<256x640xf32, #tpu.memory_space<hbm>>, %arg5: memref<8xi32, #tpu.memory_space<vmem>>, %arg6: memref<8x640xf32, #tpu.memory_space<vmem>>, %arg7: memref<!tpu.dma_semaphore, #tpu.memory_space<semaphore_mem>>) attributes {dimension_semantics = [#tpu.dimension_semantics<core_parallel>, #tpu.dimension_semantics<subcore_parallel>], iteration_bounds = array<i64: 2, 16>, scalar_prefetch = 0 : i64, scratch_operands = 3 : i64, tpu.core_type = #tpu.core_type<sc_vector_subcore>, window_params = [{transform_indices = #map}, {transform_indices = #map1}, {transform_indices = #map}]} {
    %mul3A = arith.constant 2 : i32
    %mul3A_0 = arith.muli %arg1, %mul3A : i32
    %add3A = arith.addi %mul3A_0, %arg0 : i32
    %mul3A_1 = arith.constant 8 : i32
    %mul3A_2 = arith.muli %add3A, %mul3A_1 : i32
    "tpu.region"() ({
      %run_scoped3A = tpu.sem_alloc : memref<!tpu.dma_semaphore, #tpu.memory_space<semaphore_mem>>
      %dma_start3A_7 = tpu.memref_slice %arg3[%mul3A_2] : memref<256xi32, #tpu.memory_space<hbm>> -> memref<8xi32, #tpu.memory_space<hbm>>
      %dma_start3A_8 = tpu.memref_slice %arg3[%mul3A_2] : memref<256xi32, #tpu.memory_space<hbm>> -> memref<8xi32, #tpu.memory_space<hbm>>
      tpu.enqueue_dma source(%dma_start3A_8 : memref<8xi32, #tpu.memory_space<hbm>>) target(%arg5 : memref<8xi32, #tpu.memory_space<vmem>>) target_semaphore(%run_scoped3A : memref<!tpu.dma_semaphore, #tpu.memory_space<semaphore_mem>>)
      %dma_wait3A_9 = tpu.memref_slice %arg3[%mul3A_2] : memref<256xi32, #tpu.memory_space<hbm>> -> memref<8xi32, #tpu.memory_space<hbm>>
      %dma_wait3A_10 = tpu.memref_slice %arg3[%mul3A_2] : memref<256xi32, #tpu.memory_space<hbm>> -> memref<8xi32, #tpu.memory_space<hbm>>
      tpu.wait_dma2 semaphore(%run_scoped3A : memref<!tpu.dma_semaphore, #tpu.memory_space<semaphore_mem>>) src(%dma_wait3A_10 : memref<8xi32, #tpu.memory_space<hbm>>) dst(%arg5 : memref<8xi32, #tpu.memory_space<vmem>>)
      tpu.yield
    }) : () -> ()
    %dma_start3A = arith.constant 0 : i32
    %dma_start3A_3 = arith.constant 0 : i32
    %dma_start3A_4 = tpu.memref_slice %arg2[%dma_start3A, %dma_start3A_3] : memref<640x640xf32, #tpu.memory_space<hbm>> -> memref<640x640xf32, #tpu.memory_space<hbm>>
    tpu.enqueue_indirect_dma source(%dma_start3A_4 : memref<640x640xf32, #tpu.memory_space<hbm>>) target(%arg6 : memref<8x640xf32, #tpu.memory_space<vmem>>) offsets(%arg5 : memref<8xi32, #tpu.memory_space<vmem>>) semaphore(%arg7 : memref<!tpu.dma_semaphore, #tpu.memory_space<semaphore_mem>>)
    %dma_wait3A = arith.constant 0 : i32
    %dma_wait3A_5 = arith.constant 0 : i32
    %dma_wait3A_6 = tpu.memref_slice %arg2[%dma_wait3A, %dma_wait3A_5] : memref<640x640xf32, #tpu.memory_space<hbm>> -> memref<640x640xf32, #tpu.memory_space<hbm>>
    tpu.wait_indirect_dma semaphore(%arg7 : memref<!tpu.dma_semaphore, #tpu.memory_space<semaphore_mem>>) src(%dma_wait3A_6 : memref<640x640xf32, #tpu.memory_space<hbm>>) dst(%arg6 : memref<8x640xf32, #tpu.memory_space<vmem>>)
    "tpu.region"() ({
      %run_scoped3A = tpu.sem_alloc : memref<!tpu.dma_semaphore, #tpu.memory_space<semaphore_mem>>
      %dma_start3A_7 = arith.constant 0 : i32
      %dma_start3A_8 = tpu.memref_slice %arg4[%mul3A_2, %dma_start3A_7] : memref<256x640xf32, #tpu.memory_space<hbm>> -> memref<8x640xf32, #tpu.memory_space<hbm>>
      %dma_start3A_9 = arith.constant 0 : i32
      %dma_start3A_10 = tpu.memref_slice %arg4[%mul3A_2, %dma_start3A_9] : memref<256x640xf32, #tpu.memory_space<hbm>> -> memref<8x640xf32, #tpu.memory_space<hbm>>
      tpu.enqueue_dma source(%arg6 : memref<8x640xf32, #tpu.memory_space<vmem>>) target(%dma_start3A_10 : memref<8x640xf32, #tpu.memory_space<hbm>>) target_semaphore(%run_scoped3A : memref<!tpu.dma_semaphore, #tpu.memory_space<semaphore_mem>>)
      %dma_wait3A_11 = arith.constant 0 : i32
      %dma_wait3A_12 = tpu.memref_slice %arg4[%mul3A_2, %dma_wait3A_11] : memref<256x640xf32, #tpu.memory_space<hbm>> -> memref<8x640xf32, #tpu.memory_space<hbm>>
      %dma_wait3A_13 = arith.constant 0 : i32
      %dma_wait3A_14 = tpu.memref_slice %arg4[%mul3A_2, %dma_wait3A_13] : memref<256x640xf32, #tpu.memory_space<hbm>> -> memref<8x640xf32, #tpu.memory_space<hbm>>
      tpu.wait_dma2 semaphore(%run_scoped3A : memref<!tpu.dma_semaphore, #tpu.memory_space<semaphore_mem>>) src(%arg6 : memref<8x640xf32, #tpu.memory_space<vmem>>) dst(%dma_wait3A_14 : memref<8x640xf32, #tpu.memory_space<hbm>>)
      tpu.yield
    }) : () -> ()
    return
  }
}

module attributes {stable_mosaic.version = 14 : i64} {
  func.func @_tc_body(%arg0: i32, %arg1: i32, %arg2: memref<512x4096xf32, #tpu.memory_space<vmem>>, %arg3: memref<10x4096xf32, #tpu.memory_space<vmem>>, %arg4: memref<1x10xf32, #tpu.memory_space<vmem>>, %arg5: memref<4x10xf32, #tpu.memory_space<vmem>>, %arg6: memref<4x64xi32, #tpu.memory_space<vmem>>, %arg7: memref<4x4096xf32, #tpu.memory_space<vmem>>) attributes {dimension_semantics = [#tpu.dimension_semantics<arbitrary>, #tpu.dimension_semantics<arbitrary>], iteration_bounds = array<i64: 4, 4>, scalar_prefetch = 0 : i64, scratch_operands = 1 : i64, tpu.core_type = #tpu.core_type<tc>, window_params = [{transform_indices = @transform_0, window_bounds = array<i64: 512, 4096>}, {pipeline_mode = #tpu.pipeline_mode<synchronous>, transform_indices = @transform_1, window_bounds = array<i64: 10, 4096>}, {pipeline_mode = #tpu.pipeline_mode<synchronous>, transform_indices = @transform_2, window_bounds = array<i64: 1, 10>}, {pipeline_mode = #tpu.pipeline_mode<synchronous>, transform_indices = @transform_3, window_bounds = array<i64: 4, 10>}, {pipeline_mode = #tpu.pipeline_mode<synchronous>, transform_indices = @transform_4, window_bounds = array<i64: 4, 64>}]} {
    %get3A = arith.constant 0 : index
    %get3A_0 = arith.constant 0 : index
    %get3A_1 = vector.load %arg2[%get3A, %get3A_0] : memref<512x4096xf32, #tpu.memory_space<vmem>>, vector<512x4096xf32>
    %reduce_max3A = arith.constant dense<0xFF800000> : vector<4096xf32>
    %reduce_max3A_2 = vector.multi_reduction <maximumf>, %get3A_1, %reduce_max3A [0] : vector<512x4096xf32> to vector<4096xf32>
    %broadcast_in_dim3A = vector.shape_cast %reduce_max3A_2 : vector<4096xf32> to vector<1x4096xf32>
    %eq3A = arith.constant 0 : i32
    %eq3A_3 = arith.cmpi eq, %arg1, %eq3A : i32
    %convert_element_type3A = arith.extui %eq3A_3 : i1 to i32
    %cond3A = arith.constant 0 : i32
    %cond3A_4 = arith.cmpi ne, %convert_element_type3A, %cond3A : i32
    scf.if %cond3A_4 {
      %swap3A = arith.index_cast %arg0 : i32 to index
      %swap3A_16 = arith.constant 0 : index
      %swap3A_17 = vector.load %arg7[%swap3A, %swap3A_16] : memref<4x4096xf32, #tpu.memory_space<vmem>>, vector<1x4096xf32>
      tpu.vector_store %arg7[%swap3A, %swap3A_16], %broadcast_in_dim3A {strides = array<i32>} : memref<4x4096xf32, #tpu.memory_space<vmem>>, vector<1x4096xf32>,
    } else {
    }
    %gt3A = arith.constant 0 : i32
    %gt3A_5 = arith.cmpi sgt, %arg1, %gt3A : i32
    %convert_element_type3A_6 = arith.extui %gt3A_5 : i1 to i32
    %cond3A_7 = arith.constant 0 : i32
    %cond3A_8 = arith.cmpi ne, %convert_element_type3A_6, %cond3A_7 : i32
    scf.if %cond3A_8 {
      %get3A_16 = arith.index_cast %arg0 : i32 to index
      %get3A_17 = arith.constant 0 : index
      %get3A_18 = vector.load %arg7[%get3A_16, %get3A_17] : memref<4x4096xf32, #tpu.memory_space<vmem>>, vector<1x4096xf32>
      %max3A = arith.maximumf %get3A_18, %broadcast_in_dim3A : vector<1x4096xf32>
      %swap3A = arith.index_cast %arg0 : i32 to index
      %swap3A_19 = arith.constant 0 : index
      %swap3A_20 = vector.load %arg7[%swap3A, %swap3A_19] : memref<4x4096xf32, #tpu.memory_space<vmem>>, vector<1x4096xf32>
      tpu.vector_store %arg7[%swap3A, %swap3A_19], %max3A {strides = array<i32>} : memref<4x4096xf32, #tpu.memory_space<vmem>>, vector<1x4096xf32>,
    } else {
    }
    %eq3A_9 = arith.constant 3 : i32
    %eq3A_10 = arith.cmpi eq, %arg0, %eq3A_9 : i32
    %eq3A_11 = arith.constant 3 : i32
    %eq3A_12 = arith.cmpi eq, %arg1, %eq3A_11 : i32
    %and3A = arith.andi %eq3A_10, %eq3A_12 : i1
    %convert_element_type3A_13 = arith.extui %and3A : i1 to i32
    %cond3A_14 = arith.constant 0 : i32
    %cond3A_15 = arith.cmpi ne, %convert_element_type3A_13, %cond3A_14 : i32
    scf.if %cond3A_15 {
      %get3A_16 = arith.constant 0 : index
      %get3A_17 = arith.constant 0 : index
      %get3A_18 = vector.load %arg7[%get3A_16, %get3A_17] : memref<4x4096xf32, #tpu.memory_space<vmem>>, vector<4x4096xf32>
      %get3A_19 = arith.constant 0 : index
      %get3A_20 = arith.constant 0 : index
      %get3A_21 = vector.load %arg3[%get3A_19, %get3A_20] : memref<10x4096xf32, #tpu.memory_space<vmem>>, vector<10x4096xf32>
      %dot_general3A = arith.constant dense<0.000000e+00> : vector<4x10xf32>
      %dot_general3A_22 = tpu.matmul %get3A_18, %get3A_21, %dot_general3A {dimension_numbers = #tpu.dot_dimension_numbers<[1], [1], [0], [0], [0, 0, 1, 0], [], []>, transpose_lhs_hint = false} : vector<4x4096xf32>, vector<10x4096xf32>, vector<4x10xf32> -> vector<4x10xf32>
      %get3A_23 = arith.constant 0 : index
      %get3A_24 = arith.constant 0 : index
      %get3A_25 = vector.load %arg4[%get3A_23, %get3A_24] : memref<1x10xf32, #tpu.memory_space<vmem>>, vector<1x10xf32>
      %add3A = vector.broadcast %get3A_25 : vector<1x10xf32> to vector<4x10xf32>
      %add3A_26 = arith.addf %dot_general3A_22, %add3A : vector<4x10xf32>
      %swap3A = arith.constant 0 : index
      %swap3A_27 = arith.constant 0 : index
      %swap3A_28 = vector.load %arg5[%swap3A, %swap3A_27] : memref<4x10xf32, #tpu.memory_space<vmem>>, vector<4x10xf32>
      tpu.vector_store %arg5[%swap3A, %swap3A_27], %add3A_26 {strides = array<i32>} : memref<4x10xf32, #tpu.memory_space<vmem>>, vector<4x10xf32>,
      %argmax3A = tpu.reduce_index %add3A_26 {axis = 1 : i32, kind = #tpu.reduction_kind<arg_max>} : vector<4x10xf32> -> vector<4xi32>
      %iota3A = tpu.iota {dimensions = array<i32: 1>} : vector<4x64xi32>
      %jit3A = arith.constant 32 : i32
      %div3A = vector.broadcast %jit3A : i32 to vector<4x64xi32>
      %div3A_29 = arith.divsi %iota3A, %div3A : vector<4x64xi32>
      %sign3A = arith.constant 0 : i32
      %sign3A_30 = vector.broadcast %sign3A : i32 to vector<4x64xi32>
      %sign3A_31 = arith.cmpi sgt, %iota3A, %sign3A_30 : vector<4x64xi32>
      %sign3A_32 = arith.extui %sign3A_31 : vector<4x64xi1> to vector<4x64xi32>
      %sign3A_33 = arith.constant 0 : i32
      %sign3A_34 = vector.broadcast %sign3A_33 : i32 to vector<4x64xi32>
      %sign3A_35 = arith.cmpi slt, %iota3A, %sign3A_34 : vector<4x64xi32>
      %sign3A_36 = arith.extui %sign3A_35 : vector<4x64xi1> to vector<4x64xi32>
      %sign3A_37 = arith.subi %sign3A_32, %sign3A_36 : vector<4x64xi32>
      %sign3A_38 = arith.constant 0 : i32
      %sign3A_39 = arith.cmpi sgt, %jit3A, %sign3A_38 : i32
      %sign3A_40 = arith.extui %sign3A_39 : i1 to i32
      %sign3A_41 = arith.constant 0 : i32
      %sign3A_42 = arith.cmpi slt, %jit3A, %sign3A_41 : i32
      %sign3A_43 = arith.extui %sign3A_42 : i1 to i32
      %sign3A_44 = arith.subi %sign3A_40, %sign3A_43 : i32
      %ne3A = vector.broadcast %sign3A_44 : i32 to vector<4x64xi32>
      %ne3A_45 = arith.cmpi ne, %sign3A_37, %ne3A : vector<4x64xi32>
      %rem3A = vector.broadcast %jit3A : i32 to vector<4x64xi32>
      %rem3A_46 = arith.remsi %iota3A, %rem3A : vector<4x64xi32>
      %ne3A_47 = arith.constant 0 : i32
      %ne3A_48 = vector.broadcast %ne3A_47 : i32 to vector<4x64xi32>
      %ne3A_49 = arith.cmpi ne, %rem3A_46, %ne3A_48 : vector<4x64xi32>
      %and3A_50 = arith.andi %ne3A_45, %ne3A_49 : vector<4x64xi1>
      %sub3A = arith.constant 1 : i32
      %sub3A_51 = vector.broadcast %sub3A : i32 to vector<4x64xi32>
      %sub3A_52 = arith.subi %div3A_29, %sub3A_51 : vector<4x64xi32>
      %select_n3A = arith.select %and3A_50, %sub3A_52, %div3A_29 : vector<4x64xi1>, vector<4x64xi32>
      %mul3A = arith.constant 32 : i32
      %mul3A_53 = vector.broadcast %mul3A : i32 to vector<4x64xi32>
      %mul3A_54 = arith.muli %select_n3A, %mul3A_53 : vector<4x64xi32>
      %sub3A_55 = arith.subi %iota3A, %mul3A_54 : vector<4x64xi32>
      %mul3A_56 = arith.constant 10 : i32
      %mul3A_57 = vector.broadcast %mul3A_56 : i32 to vector<4x64xi32>
      %mul3A_58 = arith.muli %select_n3A, %mul3A_57 : vector<4x64xi32>
      %broadcast_in_dim3A_59 = vector.shape_cast %argmax3A : vector<4xi32> to vector<4x1xi32>
      %add3A_60 = vector.broadcast %broadcast_in_dim3A_59 : vector<4x1xi32> to vector<4x64xi32>
      %add3A_61 = arith.addi %mul3A_58, %add3A_60 : vector<4x64xi32>
      %mul3A_62 = arith.constant 32 : i32
      %mul3A_63 = vector.broadcast %mul3A_62 : i32 to vector<4x64xi32>
      %mul3A_64 = arith.muli %add3A_61, %mul3A_63 : vector<4x64xi32>
      %add3A_65 = arith.addi %mul3A_64, %sub3A_55 : vector<4x64xi32>
      %swap3A_66 = arith.constant 0 : index
      %swap3A_67 = arith.constant 0 : index
      %swap3A_68 = vector.load %arg6[%swap3A_66, %swap3A_67] : memref<4x64xi32, #tpu.memory_space<vmem>>, vector<4x64xi32>
      tpu.vector_store %arg6[%swap3A_66, %swap3A_67], %add3A_65 {strides = array<i32>} : memref<4x64xi32, #tpu.memory_space<vmem>>, vector<4x64xi32>,
    } else {
    }
    return
  }
  func.func @transform_0(%arg0: i32, %arg1: i32) -> (i32, i32) {
    %mul3A = arith.constant 4 : i32
    %mul3A_0 = arith.muli %arg0, %mul3A : i32
    %add3A = arith.addi %mul3A_0, %arg1 : i32
    %c0_i32 = arith.constant 0 : i32
    %c0_i32_1 = arith.constant 0 : i32
    return %add3A, %c0_i32 : i32, i32
  }
  func.func @transform_1(%arg0: i32, %arg1: i32) -> (i32, i32) {
    %c0_i32 = arith.constant 0 : i32
    %c0_i32_0 = arith.constant 0 : i32
    %c0_i32_1 = arith.constant 0 : i32
    return %c0_i32, %c0_i32_0 : i32, i32
  }
  func.func @transform_2(%arg0: i32, %arg1: i32) -> (i32, i32) {
    %c0_i32 = arith.constant 0 : i32
    %c0_i32_0 = arith.constant 0 : i32
    %c0_i32_1 = arith.constant 0 : i32
    return %c0_i32, %c0_i32_0 : i32, i32
  }
  func.func @transform_3(%arg0: i32, %arg1: i32) -> (i32, i32) {
    %c0_i32 = arith.constant 0 : i32
    %c0_i32_0 = arith.constant 0 : i32
    %c0_i32_1 = arith.constant 0 : i32
    return %c0_i32, %c0_i32_0 : i32, i32
  }
  func.func @transform_4(%arg0: i32, %arg1: i32) -> (i32, i32) {
    %c0_i32 = arith.constant 0 : i32
    %c0_i32_0 = arith.constant 0 : i32
    %c0_i32_1 = arith.constant 0 : i32
    return %c0_i32, %c0_i32_0 : i32, i32
  }
}

</mosaic_0001>

<sc_bundles>
// kernel: kernel.4.cloned.1.call-start
scs
__scs_entry_jumppad:
0x0: {  	(pc) =	sbr.rel $0x88, $3  }
0x1: {  	(tag) =	ssettag $0x0;
	lr =	simm.s32 $0x1  }
0x2: {  	[smem:$0x3F9D] =	sst lr;
	_ =	strace $0xD0000000  }
0x3: {  	_ = 	snop  }
0x4: {  	_ = 	snop  }
0x5: {  	_ = 	snop  }
0x6: {  	_ = 	snop  }
0x7: {  	_ = 	snop  }
__scs_overlays_trampoline_lowered:
0x8: {  	[smem:$0x3FAC] =	sst s0  }
0x9: {  	[smem:$0x3FAD] =	sst s1  }
0xa: {  	[smem:$0x3FAE] =	sst s2  }
0xb: {  	[smem:$0x3FAF] =	sst s3  }
0xc: {  	[smem:$0x3FB0] =	sst s4  }
0xd: {  	[smem:$0x3FB1] =	sst s5  }
0xe: {  	[smem:$0x3FB2] =	sst s6  }
0xf: {  	[smem:$0x3FB3] =	sst s7  }
0x10: {  	[smem:$0x3FB4] =	sst s8  }
0x11: {  	[smem:$0x3FB5] =	sst s9;
	s0 =	simm.s32 @!p0 $0x0  }
0x12: {  	s1 =	sld [smem:$0x3F9B];
	s0 =	simm.s32 @p0 $0x1  }
0x13: {  	[smem:$0x3FB6] =	sst s0;
	s0 =	simm.s32 @!p1 $0x0  }
0x14: {  	s2 =	sld [smem:$0x3F9A];
	s0 =	simm.s32 @p1 $0x1  }
0x15: {  	[smem:$0x3FB7] =	sst s0;
	s0 =	simm.s32 @!p2 $0x0  }
0x16: {  	s3 =	sld [smem:$0x3FDB];
	s0 =	simm.s32 @p2 $0x1  }
0x17: {  	s4 =	simm.s32 $0x1BF5;
	[smem:$0x3FB9] =	sst s0  }
0x18: {  	s0 =	sld [smem:$0x3F9C];
	_ =	swait.ge [sflag:s4], $0x0  }
0x19: {  	s7 =	sld [smem:$0x3F9D]  }
0x1a: {  	s8 =	sadd.s32 $0xFFFFE003, lr  }
0x1b: {  	s9 =	sadd.s32 $0xFFFFFEF7, lr;
	s5 =	simm.s32 $0xFFFFFFFF;
	p2 =	slt.u32 s8, $0xFFFFF086  }
0x1c: {  	p1 =	slt.u32 s9, $0xF7A;
	s5 =	simm.s32 @!p2 $0x0  }
0x1d: {  	s5 =	simm.s32 @p1 $0x1;
	p0 =	seq.s32 s7, s2  }
0x1e: {  	s7 =	smul.u32 @!p0 $0xF7A, s2;
	p2 =	seq.s32 @!p0 s5, $0x0  }
0x1f: {  	s9 =	smul.u32 $0xF7A, s1;
	s8 =	simm.s32 @!p0 $0x1BF5;
	p2 =	por !p2, p0  }
0x20: {  	[sflag:s8] =	ssyncset.s32 @!p0 $0xFFFFF086;
	s6 =	sadd.s32 @!p0 s3, s7;
	s7 =	simm.s32 @!p0 $0x108  }
0x21: {  	s3 =	sadd.s32 s3, s9;
	s6 =	sadd.s32 @!p0 $0x88, s6;
	s7 =	simm.s32 @p2 $0x1082  }
0x22: {  	[simem:s7], [sflag:s8] =	dma.local @!p0 [hbm:s6], $0xF7A  }
0x23: {  	s9 =	sor.u32 $0xD0000000, s2;
	s6 =	simm.s32 $0x108;
	_ =	swait.ge @!p0 [sflag:s8], $0x0  }
0x24: {  	s3 =	sadd.s32 $0x88, s3;
	s6 =	simm.s32 @!p1 $0x1082;
	[sflag:s4] =	ssyncset.s32 $0xFFFFF086  }
0x25: {  	[simem:s6], [sflag:s4] =	dma.local [hbm:s3], $0xF7A  }
0x26: {  	[smem:$0x3F9D] =	sst s1;
	(tag) =	ssettag s2;
	_ =	strace s9  }
0x27: {  	s1 =	sld [smem:$0x3FAD]  }
0x28: {  	s2 =	sld [smem:$0x3FAE]  }
0x29: {  	s4 =	sld [smem:$0x3FB0]  }
0x2a: {  	p0 =	seq.s32 s5, $0x0;
	s5 =	sld [smem:$0x3FB1]  }
0x2b: {  	s6 =	sld [smem:$0x3FB2]  }
0x2c: {  	s7 =	sld [smem:$0x3FB3]  }
0x2d: {  	s3 =	simm.s32 $0x108;
	s8 =	sld [smem:$0x3FB4]  }
0x2e: {  	s3 =	simm.s32 @!p0 $0x1082;
	s9 =	sld [smem:$0x3FB5]  }
0x2f: {  	lr =	sadd.s32 s0, s3;
	s0 =	sld [smem:$0x3FAC]  }
0x30: {  	s3 =	sld [smem:$0x3FAF]  }
0x31: {  	[smem:$0x3FB8] =	sst s10  }
0x32: {  	s10 =	sld [smem:$0x3FB6];
	_ =	sdelay $0x3  }
0x33: {  	p0 =	seq.s32 s10, $0x1;
	s10 =	sld [smem:$0x3FB8];
	_ =	sdelay $0x3  }
0x34: {  	[smem:$0x3FB8] =	sst s10  }
0x35: {  	s10 =	sld [smem:$0x3FB7];
	_ =	sdelay $0x3  }
0x36: {  	p1 =	seq.s32 s10, $0x1;
	s10 =	sld [smem:$0x3FB8];
	_ =	sdelay $0x3  }
0x37: {  	[smem:$0x3FB8] =	sst s10  }
0x38: {  	s10 =	sld [smem:$0x3FB9]  }
0x39: {  	_ = 	snop;
	(pc) =	sbr.ind lr, $3  }
0x3a: {  	_ = 	snop  }
0x3b: {  	_ = 	snop  }
0x3c: {  	p2 =	seq.s32 s10, $0x1;
	s10 =	sld [smem:$0x3FB8]  }
0x3d: {  	_ =	shalt  }
0x3e: {  	_ =	shalt  }
0x3f: {  	_ =	shalt  }
0x40: {  	_ =	shalt  }
0x41: {  	_ =	shalt  }
0x42: {  	_ =	shalt  }
0x43: {  	_ =	shalt  }
0x44: {  	_ =	shalt  }
0x45: {  	_ =	shalt  }
0x46: {  	_ =	shalt  }
0x47: {  	_ =	shalt  }
0x48: {  	_ =	shalt  }
0x49: {  	_ =	shalt  }
0x4a: {  	_ =	shalt  }
0x4b: {  	_ =	shalt  }
0x4c: {  	_ =	shalt  }
0x4d: {  	_ =	shalt  }
0x4e: {  	_ =	shalt  }
0x4f: {  	_ =	shalt  }
0x50: {  	_ =	shalt  }
0x51: {  	_ =	shalt  }
0x52: {  	_ =	shalt  }
0x53: {  	_ =	shalt  }
0x54: {  	_ =	shalt  }
0x55: {  	_ =	shalt  }
0x56: {  	_ =	shalt  }
0x57: {  	_ =	shalt  }
0x58: {  	_ =	shalt  }
0x59: {  	_ =	shalt  }
0x5a: {  	_ =	shalt  }
0x5b: {  	_ =	shalt  }
0x5c: {  	_ =	shalt  }
0x5d: {  	_ =	shalt  }
0x5e: {  	_ =	shalt  }
0x5f: {  	_ =	shalt  }
0x60: {  	_ =	shalt  }
0x61: {  	_ =	shalt  }
0x62: {  	_ =	shalt  }
0x63: {  	_ =	shalt  }
0x64: {  	_ =	shalt  }
0x65: {  	_ =	shalt  }
0x66: {  	_ =	shalt  }
0x67: {  	_ =	shalt  }
0x68: {  	_ =	shalt  }
0x69: {  	_ =	shalt  }
0x6a: {  	_ =	shalt  }
0x6b: {  	_ =	shalt  }
0x6c: {  	_ =	shalt  }
0x6d: {  	_ =	shalt  }
0x6e: {  	_ =	shalt  }
0x6f: {  	_ =	shalt  }
0x70: {  	_ =	shalt  }
0x71: {  	_ =	shalt  }
0x72: {  	_ =	shalt  }
0x73: {  	_ =	shalt  }
0x74: {  	_ =	shalt  }
0x75: {  	_ =	shalt  }
0x76: {  	_ =	shalt  }
0x77: {  	_ =	shalt  }
0x78: {  	_ =	shalt  }
0x79: {  	_ =	shalt  }
0x7a: {  	_ =	shalt  }
0x7b: {  	_ =	shalt  }
0x7c: {  	_ =	shalt  }
0x7d: {  	_ =	shalt  }
0x7e: {  	_ =	shalt  }
0x7f: {  	_ =	shalt  }
0x80: {  	_ =	shalt  }
0x81: {  	_ =	shalt  }
0x82: {  	_ =	shalt  }
0x83: {  	_ =	shalt  }
0x84: {  	_ =	shalt  }
0x85: {  	_ =	shalt  }
0x86: {  	_ =	shalt  }
0x87: {  	_ =	shalt  }
.Lfunc_end0:
.L_simem_size_0:
called_computation_lowered:
.L_overlay_start_0:
0x88: {  	s2 =	sld [smem:$0x3FD9]  }
0x89: {  	s3 =	sld [smem:$0x3FFE];
	_ =	sdelay $0x1  }
0x8a: {  	s1 =	srdreg.scid  }
0x8b: {  	s0 =	sand.u32 $0x1, s1  }
0x8c: {  	s14 =	sshll.u32 s0, $0xA;
	s2 =	sadd.s32 s3, s2  }
0x8d: {  	s2 =	sadd.s32 s2, s14  }
0x8e: {  	[smem:$0x3FC4] =	sst s2  }
0x8f: {  	_ = 	snop  }
0x90: {  	s2 =	sld [smem:$0x3FD0];
	_ =	sdelay $0x2  }
0x91: {  	s15 =	simm.s32 $0xA;
	s4 =	simm.s32 $0x10  }
0x92: {  	[smem:s4], [sflag:s15] =	dma.local [hbm:s2], $0x1  }
0x93: {  	_ =	swait.eq [sflag:s15], $0x1  }
0x94: {  	[sflag:s15] =	ssyncset.done $0x0  }
0x95: {  	[sflag:s15] =	ssyncadd.s32 $0xFFFFFFFF  }
0x96: {  	s16 =	sld [smem:$0x11];
	(tm) =	ssettm $0x1  }
0x97: {  	s17 =	sld [smem:$0x3FFB];
	_ =	sdelay $0x3  }
0x98: {  	_ =	strace s17  }
0x99: {  	s3 =	sld [smem:$0x3FFC];
	_ =	sdelay $0x3  }
0x9a: {  	_ =	strace s3  }
0x9b: {  	s3 =	sld [smem:$0x3FFD];
	_ =	sdelay $0x3  }
0x9c: {  	_ =	strace s3  }
0x9d: {  	_ =	strace $0x8FFFFFFF  }
0x9e: {  	s18 =	sld [smem:$0x3FDB];
	_ =	sdelay $0x1  }
0x9f: {  	s19 =	simm.s32 $_scs_section_size  }
0xa0: {  	s5 =	simm.s32 $_size__tile_overlayer_lowered;
	s6 =	simm.s32 $_tile_overlayer_lowered  }
0xa1: {  	s22 =	simm.s32 $0x1BFF;
	s21 =	sshll.u32 s6, $0x1;
	s3 =	sadd.s32 s19, s18  }
0xa2: {  	s7 =	simm.s32 $0x0;
	s20 =	sshll.u32 s5, $0x1;
	s5 =	sadd.s32 s21, s3  }
0xa3: {  	[timem:s7], [sflag:s22] =	dma.local [hbm:s5], s20  }
0xa4: {  	_ =	swait.ge [sflag:s22], s20  }
0xa5: {  	s4 =	ssub.s32 $0x0, s20;
	[sflag:s22] =	ssyncset.done $0x0  }
0xa6: {  	[sflag:s22] =	ssyncadd.s32 s4;
	_ =	sdelay $0x1  }
0xa7: {  	s23 =	simm.s32 $0x1B8B  }
0xa8: {  	_ =	swait.ge [sflag:s23], $0x1  }
0xa9: {  	[sflag:s23] =	ssyncset.done $0x0  }
0xaa: {  	s25 =	simm.s32 $0x1B8E;
	s24 =	sld [smem:$0x3FFE];
	[sflag:s23] =	ssyncadd.s32 $0xFFFFFFFF  }
0xab: {  	s26 =	simm.s32 $execute0_lowered;
	[smem:$0x3FD2] =	sst s25  }
0xac: {  	s5 =	sshll.u32 s26, $0x1;
	_ =	strace $0x80000046;
	[dreg:$0x1] =	wrdreg $0xFFFFFFFF  }
0xad: {  	s28 =	simm.s32 $_size_execute0_lowered;
	s3 =	sadd.s32 s3, s5;
	[dreg:$0x0] =	wrdreg $0x0  }
0xae: {  	s5 =	sshll.u32 s28, $0x1;
	[dreg:$0x2] =	wrdreg s3  }
0xaf: {  	[dreg:$0x3] =	wrdreg s5  }
0xb0: {  	[dreg:$0x4] =	wrdreg $0xC0  }
0xb1: {  	_ =	task [dreg:s7], $0x5FFFF  }
0xb2: {  	[dreg:$0x1] =	wrdreg $0xFFFFFFFF  }
0xb3: {  	[dreg:$0x0] =	wrdreg $0x60  }
0xb4: {  	[dreg:$0x2] =	wrdreg s24  }
0xb5: {  	[dreg:$0x3] =	wrdreg s16  }
0xb6: {  	[dreg:$0x4] =	wrdreg $0x9  }
0xb7: {  	_ =	task.clear_ibuf [dreg:s7], $0x5FFFF;
	_ =	strace $0x90000046  }
0xb8: {  	s29 =	simm.s32 $0x9;
	_ =	strace $0x80000048  }
0xb9: {  	_ =	swait.ge [sflag:s29], $0x1  }
0xba: {  	[sflag:s29] =	ssyncadd.s32 $0xFFFFFFFF  }
0xbb: {  	_ =	strace $0x90000048  }
0xbc: {  	_ =	sfence  }
0xbd: {  	s30 =	sld [smem:$0x0];
	_ =	sdelay $0x2  }
0xbe: {  	s31 =	sshll.u32 s1, $0xD;
	s1 =	sshrl.u32 s1, $0x2  }
0xbf: {  	s3 =	sand.u32 $0x4000, s31;
	s1 =	sadd.s32 s1, s30  }
0xc0: {  	s0 =	sor.u32 s3, s0;
	s1 =	sshll.u32 s1, $0x11  }
0xc1: {  	s0 =	sor.u32 s1, s0  }
0xc2: {  	s0 =	sadd.s32 $0x8F2B, s0  }
0xc3: {  	[sflag:s0] =	ssyncadd.remote.s32 $0x1  }
0xc4: {  	_ =	sfence.sel $0xFFFF  }
0xc5: {  	[dreg:$0x0] =	wrdreg $0xFFFFFFFF;
	(pc) =	sbr.abs _section_cstart, $3  }
0xc6: {  	[dreg:$0x1] =	wrdreg $0xFFFFFFFF  }
0xc7: {  	_ =	task.clear_ibuf [dreg:s7], $0x2FFFF;
	_ =	strace $0x9FFFFFFF  }
0xc8: {  	(tm) =	ssettm $0x7FFFFFFF  }
0xc9: {  	_ =	shalt  }
tec
execute0_lowered:
.L_overlay_start_1:
0x0: {  	(tag) =	ssettag $0x1  }
0x1: {  	s12 =	rddreg [dreg:$0x0]  }
0x2: {  	s3 =	rddreg [dreg:$0x1]  }
0x3: {  	s0 =	rddreg [dreg:$0x2]  }
0x4: {  	s4 =	srdreg.scid;
	s1 =	stileid.u32  }
0x5: {  	s2 =	simm.s32 $0x0;
	s7 =	sand.u32 $0x1, s4;
	s30 =	sshll.u32 s1, $0x1  }
0x6: {  	[smem:$0x7FF] =	sst s2;
	s6 =	sor.u32 s7, s30  }
0x7: {  	_ =	strace $0x80000047;
	s4 =	sadd.s32 s3, s6;
	s3 =	simm.s32 $0x2  }
0x8: {  	[tilespmem:s2], [sflag:$0x2] =	stream.linear.gather [hbm4b:s4+s2], $0x8, $0x38;
	[tilespmem:$0x1480] =	vst v63  }
0x9: {  	_ =	swait.ge [sflag:s3], $0x8  }
0xa: {  	[sflag:s3] =	ssyncset.done $0x0  }
0xb: {  	[sflag:s3] =	ssyncadd.s32 $0xFFFFFFF8  }
0xc: {  	v0 =	vld.msk [tilespmem:$0x0], $0xff;
	_ =	sdelay $0x4  }
0xd: {  	v1 =	vshrl.u32 v0, $0x3  }
0xe: {  	v1 =	vmul.u32 $0x28, v1  }
0xf: {  	v2 =	vlaneseq.u32;
	v3 =	vand.u32 $0x7, v0  }
0x10: {  	v0 =	vand.u32 $0x7, v2;
	v2 =	vshrl.u32 v2, $0x3;
	v3 =	vor.u32 v3, v1  }
0x11: {  	v1 =	vmul.u32 $0x8, v2;
	v2 =	vperm.xlane v3, v0;
	_ =	sdelay $0x1  }
0x12: {  	v2 =	vadd.s32 v1, v2;
	_ =	sdelay $0x1  }
0x13: {  	s8 =	simm.s32 $0x880  }
0x14: {  	s10 =	simm.s32 $0x1080;
	s5 =	sadd.s32 $0xC00, s12;
	s14 =	ssub.s32 $0x2, s7  }
0x15: {  	vm0 =	vmmov $0xffff;
	s13 =	smul.u32 $0x280, s6;
	s6 =	simm.s32 $0x80;
	s15 =	sshrl.u32 s14, $0x1  }
0x16: {  	[tilespmem:s6], [sflag:$0x1] =	stream.indirect_vreg.gather [hbm4b:s5+s2], $0x80, v2, vm0, $0xb8;
	[tilespmem:$0x1480] =	vst v63  }
0x17: {  	s11 =	simm.s32 $0x1;
	s7 =	sadd.s32 $0xD00, s12;
	s31 =	ssub.s32 s14, s15  }
0x18: {  	[tilespmem:s8], [sflag:$0x1] =	stream.indirect_vreg.gather [hbm4b:s7+s2], $0x80, v2, vm0, $0xb8;
	[tilespmem:$0x1480] =	vst v63  }
0x19: {  	vm1 =	vmmov $0xff;
	s9 =	sadd.s32 $0xE00, s12;
	s12 =	sadd.s32 s13, s12;
	s13 =	smax.u32 s31, $0x1  }
0x1a: {  	[tilespmem:s10], [sflag:$0x1] =	stream.indirect_vreg.gather [hbm4b:s9+s2], $0x80, v2, vm1, $0xb8;
	[tilespmem:$0x1480] =	vst v63  }
0x1b: {  	p0 =	sne.s32 s13, $0x1;
	_ =	swait.ge [sflag:s11], $0x1400  }
.Ltmp0:
0x1c: {  	[sflag:s11] =	ssyncset.done $0x0;
	(pc) =	sbr.rel @!p0 .LBB2_2-.Ltmp0, $4  }
0x1d: {  	s12 =	sadd.s32 $0xD400, s12;
	[sflag:s11] =	ssyncadd.s32 $0xFFFFEC00  }
0x1e: {  	[hbm4b:s12+s2] =	stream.linear.scatter [tilespmem:s6], [sflag:$0x2], $0x1400, $0x38;
	[tilespmem:$0x1480] =	vst v63  }
0x1f: {  	_ =	swait.ge [sflag:s3], $0x1400  }
0x20: {  	s13 =	sadd.s32 $0xFFFFFFFF, s13;
	[sflag:s3] =	ssyncset.done $0x0  }
.LBB2_1:
0x21: {  	p0 =	sne.s32 s13, $0x1;
	s13 =	sadd.s32 $0xFFFFFFFF, s13;
	[sflag:s3] =	ssyncadd.s32 $0xFFFFEC00  }
0x22: {  	[tilespmem:s2], [sflag:$0x2] =	stream.linear.gather [hbm4b:s4+s2], $0x8, $0x38;
	[tilespmem:$0x1480] =	vst v63  }
0x23: {  	_ =	swait.ge [sflag:s3], $0x8  }
0x24: {  	[sflag:s3] =	ssyncset.done $0x0  }
0x25: {  	[sflag:s3] =	ssyncadd.s32 $0xFFFFFFF8  }
0x26: {  	v2 =	vld.msk [tilespmem:$0x0], $0xff;
	_ =	sdelay $0x4  }
0x27: {  	v3 =	vshrl.u32 v2, $0x3  }
0x28: {  	v3 =	vmul.u32 $0x28, v3  }
0x29: {  	v2 =	vand.u32 $0x7, v2  }
0x2a: {  	v2 =	vor.u32 v2, v3  }
0x2b: {  	v2 =	vperm.xlane v2, v0;
	_ =	sdelay $0x1  }
0x2c: {  	v2 =	vadd.s32 v1, v2;
	_ =	sdelay $0x4  }
0x2d: {  	[tilespmem:s6], [sflag:$0x1] =	stream.indirect_vreg.gather [hbm4b:s5+s2], $0x80, v2, vm0, $0xb8;
	[tilespmem:$0x1480] =	vst v63  }
0x2e: {  	_ = 	snop  }
0x2f: {  	[tilespmem:s8], [sflag:$0x1] =	stream.indirect_vreg.gather [hbm4b:s7+s2], $0x80, v2, vm0, $0xb8;
	[tilespmem:$0x1480] =	vst v63  }
0x30: {  	_ = 	snop  }
0x31: {  	[tilespmem:s10], [sflag:$0x1] =	stream.indirect_vreg.gather [hbm4b:s9+s2], $0x80, v2, vm1, $0xb8;
	[tilespmem:$0x1480] =	vst v63  }
0x32: {  	_ =	swait.ge [sflag:s11], $0x1400  }
.Ltmp1:
0x33: {  	[sflag:s11] =	ssyncset.done $0x0;
	(pc) =	sbr.rel @p0 .LBB2_1-.Ltmp1, $4  }
0x34: {  	[sflag:s11] =	ssyncadd.s32 $0xFFFFEC00  }
0x35: {  	[hbm4b:s12+s2] =	stream.linear.scatter [tilespmem:s6], [sflag:$0x2], $0x1400, $0x38;
	[tilespmem:$0x1480] =	vst v63  }
0x36: {  	_ =	swait.ge [sflag:s3], $0x1400  }
0x37: {  	[sflag:s3] =	ssyncset.done $0x0  }
.LBB2_2:
0x38: {  	[sflag:s3] =	ssyncadd.s32 $0xFFFFEC00  }
0x39: {  	_ =	sfence.sel $0x180000  }
0x3a: {  	[bflag:$0x0] =	sbarrier.arrive $0xFFFF  }
0x3b: {  	p0 =	sne.s32 s1, $0x0;
	_ =	strace $0x90000047  }
0x3c: {  	s0 =	sadd.s32 @!p0 $0x100000, s0;
	[bflag:$0x2] =	sbarrier.arrive $0xFFFF  }
0x3d: {  	[sflag:s0] =	ssyncadd.tile.s32 @!p0 $0x1;
	_ =	shalt  }
.Lfunc_end2:
_tile_overlayer_lowered:
.L_overlay_start_2:
0x3e: {  	(tag) =	ssettag $0x2  }
0x3f: {  	s0 =	rddreg [dreg:$0x0];
	s2 =	stileid.u32  }
0x40: {  	s1 =	rddreg [dreg:$0x1];
	p0 =	sne.s32 s2, $0x0  }
0x41: {  	s3 =	rddreg [dreg:$0x2];
	[bflag:$0x3] =	sbarrier.arrive $0xFFFF;
	s2 =	simm.s32 @!p0 $0x1C02  }
0x42: {  	[timem:s3], [sflag:s2] =	dma.local @!p0 [hbm:s0], s1  }
0x43: {  	s0 =	simm.s32 @!p0 $0x2  }
0x44: {  	_ =	swait.ge @!p0 [sflag:s0], s1  }
0x45: {  	s1 =	ssub.s32 @!p0 $0x0, s1;
	[sflag:s0] =	ssyncset.done @!p0 $0x0  }
0x46: {  	[sflag:s0] =	ssyncadd.s32 @!p0 s1  }
0x47: {  	[bflag:$0x3] =	sbarrier.arrive $0xFFFF  }
0x48: {  	_ =	shalt  }

</sc_bundles>
